<compile_context>
chip_gen: v7x
topology: tpu7x:2x2x1
jax: 0.10.2.dev20260603
libtpu: 0.0.44.dev20260713+nightly
codegen_flags: <defaults>
</compile_context>

<pallas_src>
import functools

import jax
import jax.numpy as jnp
import numpy as np
from jax import lax
from jax.experimental import pallas as pl
from jax.experimental.pallas import tpu as pltpu
from jax.experimental.pallas import tpu_sc as plsc

NUM_TIMESTEPS = 1000


def _make_tables() -> tuple[np.ndarray, np.ndarray]:
    s = np.float32(0.0001)
    x = np.linspace(0.0, float(NUM_TIMESTEPS), NUM_TIMESTEPS + 1, dtype=np.float32)
    acp = np.cos((x / NUM_TIMESTEPS + s) / (1 + s) * np.float32(np.pi) * 0.5,
                 dtype=np.float32) ** 2
    acp = acp / acp[0]
    betas = (1.0 - acp[1:] / acp[:-1]).astype(np.float32)
    betas = np.clip(betas, np.float32(0.02), np.float32(0.02))
    alphas = (1.0 - betas).astype(np.float32)
    acp2 = np.cumprod(alphas, dtype=np.float32)
    ta = np.zeros((1024,), dtype=np.float32)
    tb = np.zeros((1024,), dtype=np.float32)
    ta[:NUM_TIMESTEPS] = np.sqrt(acp2)
    tb[:NUM_TIMESTEPS] = np.sqrt(np.float32(1.0) - acp2)
    return ta, tb


_TABLE_A, _TABLE_B = _make_tables()


@functools.cache
def _make_sc_gather(batch: int):
    info = plsc.get_sparse_core_info()
    num_cores = info.num_cores
    num_workers = num_cores * info.num_subcores
    b_per_w = batch // num_workers
    mesh = plsc.VectorSubcoreMesh(core_axis_name="c", subcore_axis_name="s")

    @functools.partial(
        pl.kernel,
        mesh=mesh,
        out_type=jax.ShapeDtypeStruct((2 * batch,), jnp.float32),
        scratch_types=[
            pltpu.VMEM((b_per_w,), jnp.int32),
            pltpu.VMEM((b_per_w,), jnp.float32),
            pltpu.VMEM((b_per_w,), jnp.float32),
            pltpu.SemaphoreType.DMA,
            pltpu.SemaphoreType.DMA,
        ],
    )
    def gather(ta_hbm, tb_hbm, ts_hbm, out_hbm, idx_v, a_v, b_v, sem_a, sem_b):
        wid = lax.axis_index("s") * num_cores + lax.axis_index("c")
        base = wid * b_per_w
        pltpu.sync_copy(ts_hbm.at[pl.ds(base, b_per_w)], idx_v)
        ca = pltpu.async_copy(ta_hbm.at[idx_v], a_v, sem_a)
        cb = pltpu.async_copy(tb_hbm.at[idx_v], b_v, sem_b)
        ca.wait()
        cb.wait()
        pltpu.sync_copy(a_v, out_hbm.at[pl.ds(base, b_per_w)])
        pltpu.sync_copy(b_v, out_hbm.at[pl.ds(batch + base, b_per_w)])

    return gather


def _combine_body(coef_ref, x_ref, n_ref, o_ref):
    batch = x_ref.shape[1]
    c = coef_ref[...]
    a = c[0:batch].reshape(1, batch)
    b = c[batch:2 * batch].reshape(1, batch)
    o_ref[...] = a * x_ref[...] + b * n_ref[...]


def _combine(coefs, xt, nt, block_r: int, interpret: bool = False):
    rows, batch = xt.shape
    return pl.pallas_call(
        _combine_body,
        grid=(rows // block_r,),
        in_specs=[
            pl.BlockSpec((2 * batch,), lambda i: (0,)),
            pl.BlockSpec((block_r, batch), lambda i: (i, 0)),
            pl.BlockSpec((block_r, batch), lambda i: (i, 0)),
        ],
        out_specs=pl.BlockSpec((block_r, batch), lambda i: (i, 0)),
        out_shape=jax.ShapeDtypeStruct((rows, batch), jnp.float32),
        interpret=interpret,
    )(coefs, xt, nt)


def kernel(original_samples, noise, timesteps):
    batch = original_samples.shape[0]
    rest = original_samples.shape[1:]
    rows = int(np.prod(rest))
    ndim = original_samples.ndim
    to_batch_minor = tuple(range(1, ndim)) + (0,)
    from_batch_minor = (ndim - 1,) + tuple(range(ndim - 1))

    coefs = _make_sc_gather(batch)(_TABLE_A, _TABLE_B, timesteps.astype(jnp.int32))
    xt = original_samples.transpose(to_batch_minor).reshape(rows, batch)
    nt = noise.transpose(to_batch_minor).reshape(rows, batch)
    out = _combine(coefs, xt, nt, block_r=2048)
    return out.reshape(rest + (batch,)).transpose(from_batch_minor)

# --- scband reference (transcript-rebuilt; emitter-appended) ---
"""Pipeline reference for scband-noise-scheduler-v-62929860821161 (READ-ONLY COPY).

The authoritative reference and input builder live on the scoring server;
editing this copy changes nothing except your own understanding.
"""

import jax, jax.numpy as jnp
import numpy as np

NUM_T = 1000

def _buffers():
    # Faithful to the torch __init__: cosine_beta_schedule is called POSITIONALLY as
    # cosine_beta_schedule(num_train_timesteps, beta_start, beta_end), which binds
    # s=beta_start=0.0001, beta_start=beta_end=0.02, beta_end=default 0.02.
    s = 0.0001
    clip_lo = 0.02
    clip_hi = 0.02
    x = jnp.linspace(0.0, float(NUM_T), NUM_T + 1)
    alphas_cumprod = jnp.cos((x / NUM_T + s) / (1 + s) * jnp.pi * 0.5) ** 2
    alphas_cumprod = alphas_cumprod / alphas_cumprod[0]
    betas = 1.0 - alphas_cumprod[1:] / alphas_cumprod[:-1]
    betas = jnp.clip(betas, clip_lo, clip_hi)
    alphas = 1.0 - betas
    acp = jnp.cumprod(alphas)
    return jnp.sqrt(acp), jnp.sqrt(1.0 - acp)


def setup_inputs(seed: int = 0) -> dict:
    key = jax.random.key(seed)
    k1, k2, k3 = jax.random.split(key, 3)
    original_samples = jax.random.normal(k1, (256, 4, 64, 64), dtype=jnp.float32)
    noise = jax.random.normal(k2, (256, 4, 64, 64), dtype=jnp.float32)
    timesteps = jax.random.randint(k3, (256,), 0, 1000, dtype=jnp.int64 if jax.config.jax_enable_x64 else jnp.int32)
    return {"original_samples": original_samples, "noise": noise, "timesteps": timesteps}


def reference(original_samples, noise, timesteps):
    sqrt_acp, sqrt_1m_acp = _buffers()
    # embedding-style gather of per-timestep scalars, then broadcast over sample dims
    sap = jnp.take(sqrt_acp, timesteps, axis=0).reshape((-1, 1, 1, 1))
    somap = jnp.take(sqrt_1m_acp, timesteps, axis=0).reshape((-1, 1, 1, 1))
    noisy_samples = sap * original_samples + somap * noise
    return noisy_samples

if __name__ == "__main__":
    import jax
    _d = setup_inputs()
    print(jax.jit(kernel)(*tuple(_d.values())))

</pallas_src>

<mosaic_0001>
#map = affine_map<(d0, d1) -> (0)>
module attributes {stable_mosaic.version = 14 : i64} {
  func.func @gather(%arg0: i32, %arg1: i32, %arg2: memref<1024xf32, #tpu.memory_space<hbm>>, %arg3: memref<1024xf32, #tpu.memory_space<hbm>>, %arg4: memref<256xi32, #tpu.memory_space<hbm>>, %arg5: memref<512xf32, #tpu.memory_space<hbm>>, %arg6: memref<8xi32, #tpu.memory_space<vmem>>, %arg7: memref<8xf32, #tpu.memory_space<vmem>>, %arg8: memref<8xf32, #tpu.memory_space<vmem>>, %arg9: memref<!tpu.dma_semaphore, #tpu.memory_space<semaphore_mem>>, %arg10: memref<!tpu.dma_semaphore, #tpu.memory_space<semaphore_mem>>) attributes {dimension_semantics = [#tpu.dimension_semantics<core_parallel>, #tpu.dimension_semantics<subcore_parallel>], iteration_bounds = array<i64: 2, 16>, scalar_prefetch = 0 : i64, scratch_operands = 5 : i64, tpu.core_type = #tpu.core_type<sc_vector_subcore>, window_params = [{transform_indices = #map}, {transform_indices = #map}, {transform_indices = #map}, {transform_indices = #map}]} {
    %mul3A = arith.constant 2 : i32
    %mul3A_0 = arith.muli %arg1, %mul3A : i32
    %add3A = arith.addi %mul3A_0, %arg0 : i32
    %mul3A_1 = arith.constant 8 : i32
    %mul3A_2 = arith.muli %add3A, %mul3A_1 : i32
    "tpu.region"() ({
      %run_scoped3A = tpu.sem_alloc : memref<!tpu.dma_semaphore, #tpu.memory_space<semaphore_mem>>
      %dma_start3A_11 = tpu.memref_slice %arg4[%mul3A_2] : memref<256xi32, #tpu.memory_space<hbm>> -> memref<8xi32, #tpu.memory_space<hbm>>
      %dma_start3A_12 = tpu.memref_slice %arg4[%mul3A_2] : memref<256xi32, #tpu.memory_space<hbm>> -> memref<8xi32, #tpu.memory_space<hbm>>
      tpu.enqueue_dma source(%dma_start3A_12 : memref<8xi32, #tpu.memory_space<hbm>>) target(%arg6 : memref<8xi32, #tpu.memory_space<vmem>>) target_semaphore(%run_scoped3A : memref<!tpu.dma_semaphore, #tpu.memory_space<semaphore_mem>>)
      %dma_wait3A_13 = tpu.memref_slice %arg4[%mul3A_2] : memref<256xi32, #tpu.memory_space<hbm>> -> memref<8xi32, #tpu.memory_space<hbm>>
      %dma_wait3A_14 = tpu.memref_slice %arg4[%mul3A_2] : memref<256xi32, #tpu.memory_space<hbm>> -> memref<8xi32, #tpu.memory_space<hbm>>
      tpu.wait_dma2 semaphore(%run_scoped3A : memref<!tpu.dma_semaphore, #tpu.memory_space<semaphore_mem>>) src(%dma_wait3A_14 : memref<8xi32, #tpu.memory_space<hbm>>) dst(%arg6 : memref<8xi32, #tpu.memory_space<vmem>>)
      tpu.yield
    }) : () -> ()
    %dma_start3A = arith.constant 0 : i32
    %dma_start3A_3 = tpu.memref_slice %arg2[%dma_start3A] : memref<1024xf32, #tpu.memory_space<hbm>> -> memref<1024xf32, #tpu.memory_space<hbm>>
    tpu.enqueue_indirect_dma source(%dma_start3A_3 : memref<1024xf32, #tpu.memory_space<hbm>>) target(%arg7 : memref<8xf32, #tpu.memory_space<vmem>>) offsets(%arg6 : memref<8xi32, #tpu.memory_space<vmem>>) semaphore(%arg9 : memref<!tpu.dma_semaphore, #tpu.memory_space<semaphore_mem>>)
    %dma_start3A_4 = arith.constant 0 : i32
    %dma_start3A_5 = tpu.memref_slice %arg3[%dma_start3A_4] : memref<1024xf32, #tpu.memory_space<hbm>> -> memref<1024xf32, #tpu.memory_space<hbm>>
    tpu.enqueue_indirect_dma source(%dma_start3A_5 : memref<1024xf32, #tpu.memory_space<hbm>>) target(%arg8 : memref<8xf32, #tpu.memory_space<vmem>>) offsets(%arg6 : memref<8xi32, #tpu.memory_space<vmem>>) semaphore(%arg10 : memref<!tpu.dma_semaphore, #tpu.memory_space<semaphore_mem>>)
    %dma_wait3A = arith.constant 0 : i32
    %dma_wait3A_6 = tpu.memref_slice %arg2[%dma_wait3A] : memref<1024xf32, #tpu.memory_space<hbm>> -> memref<1024xf32, #tpu.memory_space<hbm>>
    tpu.wait_indirect_dma semaphore(%arg9 : memref<!tpu.dma_semaphore, #tpu.memory_space<semaphore_mem>>) src(%dma_wait3A_6 : memref<1024xf32, #tpu.memory_space<hbm>>) dst(%arg7 : memref<8xf32, #tpu.memory_space<vmem>>)
    %dma_wait3A_7 = arith.constant 0 : i32
    %dma_wait3A_8 = tpu.memref_slice %arg3[%dma_wait3A_7] : memref<1024xf32, #tpu.memory_space<hbm>> -> memref<1024xf32, #tpu.memory_space<hbm>>
    tpu.wait_indirect_dma semaphore(%arg10 : memref<!tpu.dma_semaphore, #tpu.memory_space<semaphore_mem>>) src(%dma_wait3A_8 : memref<1024xf32, #tpu.memory_space<hbm>>) dst(%arg8 : memref<8xf32, #tpu.memory_space<vmem>>)
    "tpu.region"() ({
      %run_scoped3A = tpu.sem_alloc : memref<!tpu.dma_semaphore, #tpu.memory_space<semaphore_mem>>
      %dma_start3A_11 = tpu.memref_slice %arg5[%mul3A_2] : memref<512xf32, #tpu.memory_space<hbm>> -> memref<8xf32, #tpu.memory_space<hbm>>
      %dma_start3A_12 = tpu.memref_slice %arg5[%mul3A_2] : memref<512xf32, #tpu.memory_space<hbm>> -> memref<8xf32, #tpu.memory_space<hbm>>
      tpu.enqueue_dma source(%arg7 : memref<8xf32, #tpu.memory_space<vmem>>) target(%dma_start3A_12 : memref<8xf32, #tpu.memory_space<hbm>>) target_semaphore(%run_scoped3A : memref<!tpu.dma_semaphore, #tpu.memory_space<semaphore_mem>>)
      %dma_wait3A_13 = tpu.memref_slice %arg5[%mul3A_2] : memref<512xf32, #tpu.memory_space<hbm>> -> memref<8xf32, #tpu.memory_space<hbm>>
      %dma_wait3A_14 = tpu.memref_slice %arg5[%mul3A_2] : memref<512xf32, #tpu.memory_space<hbm>> -> memref<8xf32, #tpu.memory_space<hbm>>
      tpu.wait_dma2 semaphore(%run_scoped3A : memref<!tpu.dma_semaphore, #tpu.memory_space<semaphore_mem>>) src(%arg7 : memref<8xf32, #tpu.memory_space<vmem>>) dst(%dma_wait3A_14 : memref<8xf32, #tpu.memory_space<hbm>>)
      tpu.yield
    }) : () -> ()
    %add3A_9 = arith.constant 256 : i32
    %add3A_10 = arith.addi %add3A_9, %mul3A_2 : i32
    "tpu.region"() ({
      %run_scoped3A = tpu.sem_alloc : memref<!tpu.dma_semaphore, #tpu.memory_space<semaphore_mem>>
      %dma_start3A_11 = tpu.memref_slice %arg5[%add3A_10] : memref<512xf32, #tpu.memory_space<hbm>> -> memref<8xf32, #tpu.memory_space<hbm>>
      %dma_start3A_12 = tpu.memref_slice %arg5[%add3A_10] : memref<512xf32, #tpu.memory_space<hbm>> -> memref<8xf32, #tpu.memory_space<hbm>>
      tpu.enqueue_dma source(%arg8 : memref<8xf32, #tpu.memory_space<vmem>>) target(%dma_start3A_12 : memref<8xf32, #tpu.memory_space<hbm>>) target_semaphore(%run_scoped3A : memref<!tpu.dma_semaphore, #tpu.memory_space<semaphore_mem>>)
      %dma_wait3A_13 = tpu.memref_slice %arg5[%add3A_10] : memref<512xf32, #tpu.memory_space<hbm>> -> memref<8xf32, #tpu.memory_space<hbm>>
      %dma_wait3A_14 = tpu.memref_slice %arg5[%add3A_10] : memref<512xf32, #tpu.memory_space<hbm>> -> memref<8xf32, #tpu.memory_space<hbm>>
      tpu.wait_dma2 semaphore(%run_scoped3A : memref<!tpu.dma_semaphore, #tpu.memory_space<semaphore_mem>>) src(%arg8 : memref<8xf32, #tpu.memory_space<vmem>>) dst(%dma_wait3A_14 : memref<8xf32, #tpu.memory_space<hbm>>)
      tpu.yield
    }) : () -> ()
    return
  }
}

module attributes {stable_mosaic.version = 14 : i64} {
  func.func @_combine_body(%arg0: i32, %arg1: memref<512xf32, #tpu.memory_space<vmem>>, %arg2: memref<2048x256xf32, #tpu.memory_space<vmem>>, %arg3: memref<2048x256xf32, #tpu.memory_space<vmem>>, %arg4: memref<2048x256xf32, #tpu.memory_space<vmem>>) attributes {dimension_semantics = [#tpu.dimension_semantics<arbitrary>], iteration_bounds = array<i64: 8>, scalar_prefetch = 0 : i64, scratch_operands = 0 : i64, tpu.core_type = #tpu.core_type<tc>, window_params = [{pipeline_mode = #tpu.pipeline_mode<synchronous>, transform_indices = @transform_0, window_bounds = array<i64: 512>}, {transform_indices = @transform_1, window_bounds = array<i64: 2048, 256>}, {transform_indices = @transform_2, window_bounds = array<i64: 2048, 256>}, {transform_indices = @transform_3, window_bounds = array<i64: 2048, 256>}]} {
    %get3A = arith.constant 0 : index
    %get3A_0 = vector.load %arg1[%get3A] : memref<512xf32, #tpu.memory_space<vmem>>, vector<512xf32>
    %slice3A = vector.extract_strided_slice %get3A_0 {offsets = [0], sizes = [256], strides = [1]} : vector<512xf32> to vector<256xf32>
    %reshape3A = vector.shape_cast %slice3A : vector<256xf32> to vector<1x256xf32>
    %slice3A_1 = vector.extract_strided_slice %get3A_0 {offsets = [256], sizes = [256], strides = [1]} : vector<512xf32> to vector<256xf32>
    %reshape3A_2 = vector.shape_cast %slice3A_1 : vector<256xf32> to vector<1x256xf32>
    %get3A_3 = arith.constant 0 : index
    %get3A_4 = arith.constant 0 : index
    %get3A_5 = vector.load %arg2[%get3A_3, %get3A_4] : memref<2048x256xf32, #tpu.memory_space<vmem>>, vector<2048x256xf32>
    %mul3A = vector.broadcast %reshape3A : vector<1x256xf32> to vector<2048x256xf32>
    %mul3A_6 = arith.mulf %mul3A, %get3A_5 : vector<2048x256xf32>
    %get3A_7 = arith.constant 0 : index
    %get3A_8 = arith.constant 0 : index
    %get3A_9 = vector.load %arg3[%get3A_7, %get3A_8] : memref<2048x256xf32, #tpu.memory_space<vmem>>, vector<2048x256xf32>
    %mul3A_10 = vector.broadcast %reshape3A_2 : vector<1x256xf32> to vector<2048x256xf32>
    %mul3A_11 = arith.mulf %mul3A_10, %get3A_9 : vector<2048x256xf32>
    %add3A = arith.addf %mul3A_6, %mul3A_11 : vector<2048x256xf32>
    %swap3A = arith.constant 0 : index
    %swap3A_12 = arith.constant 0 : index
    %swap3A_13 = vector.load %arg4[%swap3A, %swap3A_12] : memref<2048x256xf32, #tpu.memory_space<vmem>>, vector<2048x256xf32>
    tpu.vector_store %arg4[%swap3A, %swap3A_12], %add3A {strides = array<i32>} : memref<2048x256xf32, #tpu.memory_space<vmem>>, vector<2048x256xf32>,
    return
  }
  func.func @transform_0(%arg0: i32) -> i32 {
    %c0_i32 = arith.constant 0 : i32
    %c0_i32_0 = arith.constant 0 : i32
    return %c0_i32 : i32
  }
  func.func @transform_1(%arg0: i32) -> (i32, i32) {
    %c0_i32 = arith.constant 0 : i32
    %c0_i32_0 = arith.constant 0 : i32
    return %arg0, %c0_i32 : i32, i32
  }
  func.func @transform_2(%arg0: i32) -> (i32, i32) {
    %c0_i32 = arith.constant 0 : i32
    %c0_i32_0 = arith.constant 0 : i32
    return %arg0, %c0_i32 : i32, i32
  }
  func.func @transform_3(%arg0: i32) -> (i32, i32) {
    %c0_i32 = arith.constant 0 : i32
    %c0_i32_0 = arith.constant 0 : i32
    return %arg0, %c0_i32 : i32, i32
  }
}

</mosaic_0001>

<sc_bundles>
// kernel: kernel.4.cloned.1.call-start
scs
__scs_entry_jumppad:
0x0: {  	(pc) =	sbr.rel $0x88, $3  }
0x1: {  	(tag) =	ssettag $0x0;
	lr =	simm.s32 $0x1  }
0x2: {  	[smem:$0x3F9E] =	sst lr;
	_ =	strace $0xD0000000  }
0x3: {  	_ = 	snop  }
0x4: {  	_ = 	snop  }
0x5: {  	_ = 	snop  }
0x6: {  	_ = 	snop  }
0x7: {  	_ = 	snop  }
__scs_overlays_trampoline_lowered:
0x8: {  	[smem:$0x3FAD] =	sst s0  }
0x9: {  	[smem:$0x3FAE] =	sst s1  }
0xa: {  	[smem:$0x3FAF] =	sst s2  }
0xb: {  	[smem:$0x3FB0] =	sst s3  }
0xc: {  	[smem:$0x3FB1] =	sst s4  }
0xd: {  	[smem:$0x3FB2] =	sst s5  }
0xe: {  	[smem:$0x3FB3] =	sst s6  }
0xf: {  	[smem:$0x3FB4] =	sst s7  }
0x10: {  	[smem:$0x3FB5] =	sst s8  }
0x11: {  	[smem:$0x3FB6] =	sst s9;
	s0 =	simm.s32 @!p0 $0x0  }
0x12: {  	s1 =	sld [smem:$0x3F9C];
	s0 =	simm.s32 @p0 $0x1  }
0x13: {  	[smem:$0x3FB7] =	sst s0;
	s0 =	simm.s32 @!p1 $0x0  }
0x14: {  	s2 =	sld [smem:$0x3F9B];
	s0 =	simm.s32 @p1 $0x1  }
0x15: {  	[smem:$0x3FB8] =	sst s0;
	s0 =	simm.s32 @!p2 $0x0  }
0x16: {  	s3 =	sld [smem:$0x3FDB];
	s0 =	simm.s32 @p2 $0x1  }
0x17: {  	s4 =	simm.s32 $0x1BF5;
	[smem:$0x3FBA] =	sst s0  }
0x18: {  	s0 =	sld [smem:$0x3F9D];
	_ =	swait.ge [sflag:s4], $0x0  }
0x19: {  	s7 =	sld [smem:$0x3F9E]  }
0x1a: {  	s8 =	sadd.s32 $0xFFFFE003, lr  }
0x1b: {  	s9 =	sadd.s32 $0xFFFFFEF7, lr;
	s5 =	simm.s32 $0xFFFFFFFF;
	p2 =	slt.u32 s8, $0xFFFFF086  }
0x1c: {  	p1 =	slt.u32 s9, $0xF7A;
	s5 =	simm.s32 @!p2 $0x0  }
0x1d: {  	s5 =	simm.s32 @p1 $0x1;
	p0 =	seq.s32 s7, s2  }
0x1e: {  	s7 =	smul.u32 @!p0 $0xF7A, s2;
	p2 =	seq.s32 @!p0 s5, $0x0  }
0x1f: {  	s9 =	smul.u32 $0xF7A, s1;
	s8 =	simm.s32 @!p0 $0x1BF5;
	p2 =	por !p2, p0  }
0x20: {  	[sflag:s8] =	ssyncset.s32 @!p0 $0xFFFFF086;
	s6 =	sadd.s32 @!p0 s3, s7;
	s7 =	simm.s32 @!p0 $0x108  }
0x21: {  	s3 =	sadd.s32 s3, s9;
	s6 =	sadd.s32 @!p0 $0x88, s6;
	s7 =	simm.s32 @p2 $0x1082  }
0x22: {  	[simem:s7], [sflag:s8] =	dma.local @!p0 [hbm:s6], $0xF7A  }
0x23: {  	s9 =	sor.u32 $0xD0000000, s2;
	s6 =	simm.s32 $0x108;
	_ =	swait.ge @!p0 [sflag:s8], $0x0  }
0x24: {  	s3 =	sadd.s32 $0x88, s3;
	s6 =	simm.s32 @!p1 $0x1082;
	[sflag:s4] =	ssyncset.s32 $0xFFFFF086  }
0x25: {  	[simem:s6], [sflag:s4] =	dma.local [hbm:s3], $0xF7A  }
0x26: {  	[smem:$0x3F9E] =	sst s1;
	(tag) =	ssettag s2;
	_ =	strace s9  }
0x27: {  	s1 =	sld [smem:$0x3FAE]  }
0x28: {  	s2 =	sld [smem:$0x3FAF]  }
0x29: {  	s4 =	sld [smem:$0x3FB1]  }
0x2a: {  	p0 =	seq.s32 s5, $0x0;
	s5 =	sld [smem:$0x3FB2]  }
0x2b: {  	s6 =	sld [smem:$0x3FB3]  }
0x2c: {  	s7 =	sld [smem:$0x3FB4]  }
0x2d: {  	s3 =	simm.s32 $0x108;
	s8 =	sld [smem:$0x3FB5]  }
0x2e: {  	s3 =	simm.s32 @!p0 $0x1082;
	s9 =	sld [smem:$0x3FB6]  }
0x2f: {  	lr =	sadd.s32 s0, s3;
	s0 =	sld [smem:$0x3FAD]  }
0x30: {  	s3 =	sld [smem:$0x3FB0]  }
0x31: {  	[smem:$0x3FB9] =	sst s10  }
0x32: {  	s10 =	sld [smem:$0x3FB7];
	_ =	sdelay $0x3  }
0x33: {  	p0 =	seq.s32 s10, $0x1;
	s10 =	sld [smem:$0x3FB9];
	_ =	sdelay $0x3  }
0x34: {  	[smem:$0x3FB9] =	sst s10  }
0x35: {  	s10 =	sld [smem:$0x3FB8];
	_ =	sdelay $0x3  }
0x36: {  	p1 =	seq.s32 s10, $0x1;
	s10 =	sld [smem:$0x3FB9];
	_ =	sdelay $0x3  }
0x37: {  	[smem:$0x3FB9] =	sst s10  }
0x38: {  	s10 =	sld [smem:$0x3FBA]  }
0x39: {  	_ = 	snop;
	(pc) =	sbr.ind lr, $3  }
0x3a: {  	_ = 	snop  }
0x3b: {  	_ = 	snop  }
0x3c: {  	p2 =	seq.s32 s10, $0x1;
	s10 =	sld [smem:$0x3FB9]  }
0x3d: {  	_ =	shalt  }
0x3e: {  	_ =	shalt  }
0x3f: {  	_ =	shalt  }
0x40: {  	_ =	shalt  }
0x41: {  	_ =	shalt  }
0x42: {  	_ =	shalt  }
0x43: {  	_ =	shalt  }
0x44: {  	_ =	shalt  }
0x45: {  	_ =	shalt  }
0x46: {  	_ =	shalt  }
0x47: {  	_ =	shalt  }
0x48: {  	_ =	shalt  }
0x49: {  	_ =	shalt  }
0x4a: {  	_ =	shalt  }
0x4b: {  	_ =	shalt  }
0x4c: {  	_ =	shalt  }
0x4d: {  	_ =	shalt  }
0x4e: {  	_ =	shalt  }
0x4f: {  	_ =	shalt  }
0x50: {  	_ =	shalt  }
0x51: {  	_ =	shalt  }
0x52: {  	_ =	shalt  }
0x53: {  	_ =	shalt  }
0x54: {  	_ =	shalt  }
0x55: {  	_ =	shalt  }
0x56: {  	_ =	shalt  }
0x57: {  	_ =	shalt  }
0x58: {  	_ =	shalt  }
0x59: {  	_ =	shalt  }
0x5a: {  	_ =	shalt  }
0x5b: {  	_ =	shalt  }
0x5c: {  	_ =	shalt  }
0x5d: {  	_ =	shalt  }
0x5e: {  	_ =	shalt  }
0x5f: {  	_ =	shalt  }
0x60: {  	_ =	shalt  }
0x61: {  	_ =	shalt  }
0x62: {  	_ =	shalt  }
0x63: {  	_ =	shalt  }
0x64: {  	_ =	shalt  }
0x65: {  	_ =	shalt  }
0x66: {  	_ =	shalt  }
0x67: {  	_ =	shalt  }
0x68: {  	_ =	shalt  }
0x69: {  	_ =	shalt  }
0x6a: {  	_ =	shalt  }
0x6b: {  	_ =	shalt  }
0x6c: {  	_ =	shalt  }
0x6d: {  	_ =	shalt  }
0x6e: {  	_ =	shalt  }
0x6f: {  	_ =	shalt  }
0x70: {  	_ =	shalt  }
0x71: {  	_ =	shalt  }
0x72: {  	_ =	shalt  }
0x73: {  	_ =	shalt  }
0x74: {  	_ =	shalt  }
0x75: {  	_ =	shalt  }
0x76: {  	_ =	shalt  }
0x77: {  	_ =	shalt  }
0x78: {  	_ =	shalt  }
0x79: {  	_ =	shalt  }
0x7a: {  	_ =	shalt  }
0x7b: {  	_ =	shalt  }
0x7c: {  	_ =	shalt  }
0x7d: {  	_ =	shalt  }
0x7e: {  	_ =	shalt  }
0x7f: {  	_ =	shalt  }
0x80: {  	_ =	shalt  }
0x81: {  	_ =	shalt  }
0x82: {  	_ =	shalt  }
0x83: {  	_ =	shalt  }
0x84: {  	_ =	shalt  }
0x85: {  	_ =	shalt  }
0x86: {  	_ =	shalt  }
0x87: {  	_ =	shalt  }
.Lfunc_end0:
.L_simem_size_0:
called_computation_lowered:
.L_overlay_start_0:
0x88: {  	s2 =	sld [smem:$0x3FD9]  }
0x89: {  	s3 =	sld [smem:$0x3FFE];
	_ =	sdelay $0x1  }
0x8a: {  	s1 =	srdreg.scid  }
0x8b: {  	s0 =	sand.u32 $0x1, s1  }
0x8c: {  	s17 =	sshll.u32 s0, $0xA;
	s2 =	sadd.s32 s3, s2  }
0x8d: {  	s2 =	sadd.s32 s2, s17  }
0x8e: {  	[smem:$0x3FC5] =	sst s2  }
0x8f: {  	_ = 	snop  }
0x90: {  	s2 =	sld [smem:$0x3FC7]  }
0x91: {  	s18 =	sld [smem:$0x3FD0];
	(tm) =	ssettm $0x1  }
0x92: {  	s4 =	sld [smem:$0x3FFB];
	_ =	sdelay $0x3  }
0x93: {  	_ =	strace s4  }
0x94: {  	s4 =	sld [smem:$0x3FFC];
	_ =	sdelay $0x3  }
0x95: {  	_ =	strace s4  }
0x96: {  	s4 =	sld [smem:$0x3FFD];
	_ =	sdelay $0x3  }
0x97: {  	_ =	strace s4  }
0x98: {  	_ =	strace $0x8FFFFFFF  }
0x99: {  	s19 =	sld [smem:$0x3FDB];
	_ =	sdelay $0x1  }
0x9a: {  	s5 =	simm.s32 $_scs_section_size  }
0x9b: {  	s6 =	simm.s32 $_size__tile_overlayer_lowered;
	s7 =	simm.s32 $_tile_overlayer_lowered  }
0x9c: {  	s22 =	simm.s32 $0x1BFF;
	s21 =	sshll.u32 s7, $0x1;
	s4 =	sadd.s32 s5, s19  }
0x9d: {  	s8 =	simm.s32 $0x0;
	s20 =	sshll.u32 s6, $0x1;
	s6 =	sadd.s32 s21, s4  }
0x9e: {  	[timem:s8], [sflag:s22] =	dma.local [hbm:s6], s20  }
0x9f: {  	_ =	swait.ge [sflag:s22], s20  }
0xa0: {  	s5 =	ssub.s32 $0x0, s20;
	[sflag:s22] =	ssyncset.done $0x0  }
0xa1: {  	[sflag:s22] =	ssyncadd.s32 s5;
	_ =	sdelay $0x1  }
0xa2: {  	s23 =	simm.s32 $0x1B8B  }
0xa3: {  	_ =	swait.ge [sflag:s23], $0x1  }
0xa4: {  	[sflag:s23] =	ssyncset.done $0x0  }
0xa5: {  	s25 =	simm.s32 $0x1B8E;
	s24 =	sld [smem:$0x3FFE];
	[sflag:s23] =	ssyncadd.s32 $0xFFFFFFFF  }
0xa6: {  	s26 =	simm.s32 $execute0_lowered;
	[smem:$0x3FD2] =	sst s25  }
0xa7: {  	s6 =	sshll.u32 s26, $0x1;
	_ =	strace $0x80000046;
	[dreg:$0x1] =	wrdreg $0xFFFFFFFF  }
0xa8: {  	s28 =	simm.s32 $_size_execute0_lowered;
	s4 =	sadd.s32 s4, s6;
	[dreg:$0x0] =	wrdreg $0x0  }
0xa9: {  	s6 =	sshll.u32 s28, $0x1;
	[dreg:$0x2] =	wrdreg s4  }
0xaa: {  	[dreg:$0x3] =	wrdreg s6  }
0xab: {  	[dreg:$0x4] =	wrdreg $0xC0  }
0xac: {  	_ =	task [dreg:s8], $0x5FFFF  }
0xad: {  	[dreg:$0x1] =	wrdreg $0xFFFFFFFF  }
0xae: {  	[dreg:$0x0] =	wrdreg $0x60  }
0xaf: {  	[dreg:$0x2] =	wrdreg s18  }
0xb0: {  	[dreg:$0x3] =	wrdreg s24  }
0xb1: {  	[dreg:$0x4] =	wrdreg s2  }
0xb2: {  	[dreg:$0x5] =	wrdreg $0x9  }
0xb3: {  	_ =	task.clear_ibuf [dreg:s8], $0x6FFFF;
	_ =	strace $0x90000046  }
0xb4: {  	s29 =	simm.s32 $0x9;
	_ =	strace $0x80000048  }
0xb5: {  	_ =	swait.ge [sflag:s29], $0x1  }
0xb6: {  	[sflag:s29] =	ssyncadd.s32 $0xFFFFFFFF  }
0xb7: {  	_ =	strace $0x90000048  }
0xb8: {  	_ =	sfence  }
0xb9: {  	s30 =	sld [smem:$0x0];
	_ =	sdelay $0x2  }
0xba: {  	s31 =	sshll.u32 s1, $0xD;
	s1 =	sshrl.u32 s1, $0x2  }
0xbb: {  	s3 =	sand.u32 $0x4000, s31;
	s1 =	sadd.s32 s1, s30  }
0xbc: {  	s0 =	sor.u32 s3, s0;
	s1 =	sshll.u32 s1, $0x11  }
0xbd: {  	s0 =	sor.u32 s1, s0  }
0xbe: {  	s0 =	sadd.s32 $0x8F2B, s0  }
0xbf: {  	[sflag:s0] =	ssyncadd.remote.s32 $0x1  }
0xc0: {  	_ =	sfence.sel $0xFFFF  }
0xc1: {  	[dreg:$0x0] =	wrdreg $0xFFFFFFFF;
	(pc) =	sbr.abs _section_cstart, $3  }
0xc2: {  	[dreg:$0x1] =	wrdreg $0xFFFFFFFF  }
0xc3: {  	_ =	task.clear_ibuf [dreg:s8], $0x2FFFF;
	_ =	strace $0x9FFFFFFF  }
0xc4: {  	(tm) =	ssettm $0x7FFFFFFF  }
0xc5: {  	_ =	shalt  }
tec
execute0_lowered:
.L_overlay_start_1:
0x0: {  	(tag) =	ssettag $0x1  }
0x1: {  	s2 =	rddreg [dreg:$0x0]  }
0x2: {  	s12 =	rddreg [dreg:$0x1]  }
0x3: {  	s4 =	rddreg [dreg:$0x2]  }
0x4: {  	s0 =	rddreg [dreg:$0x3]  }
0x5: {  	s5 =	srdreg.scid;
	s1 =	stileid.u32  }
0x6: {  	s3 =	simm.s32 $0x0;
	s13 =	sand.u32 $0x1, s5;
	s30 =	sshll.u32 s1, $0x1  }
0x7: {  	[smem:$0x7FF] =	sst s3;
	s14 =	sor.u32 s13, s30  }
0x8: {  	_ =	strace $0x80000047;
	s5 =	sadd.s32 s4, s14;
	s4 =	simm.s32 $0x3  }
0x9: {  	[tilespmem:s3], [sflag:$0x3] =	stream.linear.gather [hbm4b:s5+s3], $0x8, $0x38;
	[tilespmem:$0x180] =	vst v63  }
0xa: {  	_ =	swait.ge [sflag:s4], $0x8  }
0xb: {  	[sflag:s4] =	ssyncset.done $0x0  }
0xc: {  	s6 =	simm.s32 $0x8;
	s7 =	simm.s32 $0x80;
	[sflag:s4] =	ssyncadd.s32 $0xFFFFFFF8  }
0xd: {  	[tilespmem:s7], [sflag:$0x1] =	stream.indirect.gather [hbm4b:s2+s6], $0x1, s3, s6, $0xb8;
	[tilespmem:$0x180] =	vst v63  }
0xe: {  	s9 =	simm.s32 $0x100;
	s10 =	simm.s32 $0x1;
	s8 =	sadd.s32 $0x800, s12  }
0xf: {  	[tilespmem:s9], [sflag:$0x2] =	stream.indirect.gather [hbm4b:s8+s6], $0x1, s3, s6, $0xb8;
	[tilespmem:$0x180] =	vst v63  }
0x10: {  	_ =	swait.ge [sflag:s10], $0x8  }
0x11: {  	[sflag:s10] =	ssyncset.done $0x0  }
0x12: {  	s11 =	simm.s32 $0x2;
	s13 =	ssub.s32 $0x2, s13;
	[sflag:s10] =	ssyncadd.s32 $0xFFFFFFF8  }
0x13: {  	s15 =	sshrl.u32 s13, $0x1;
	_ =	swait.ge [sflag:s11], $0x8  }
0x14: {  	s14 =	sadd.s32 s14, s12;
	s15 =	ssub.s32 s13, s15;
	[sflag:s11] =	ssyncset.done $0x0  }
0x15: {  	s12 =	sadd.s32 $0xA00, s14;
	s31 =	smax.u32 s15, $0x1;
	[sflag:s11] =	ssyncadd.s32 $0xFFFFFFF8  }
0x16: {  	[hbm4b:s12+s3] =	stream.linear.scatter [tilespmem:s7], [sflag:$0x3], $0x8, $0x38;
	[tilespmem:$0x180] =	vst v63  }
0x17: {  	p0 =	sne.s32 s31, $0x1;
	_ =	swait.ge [sflag:s4], $0x8  }
.Ltmp0:
0x18: {  	[sflag:s4] =	ssyncset.done $0x0;
	(pc) =	sbr.rel @!p0 .LBB2_2-.Ltmp0, $4  }
0x19: {  	s13 =	sadd.s32 $0xA20, s14;
	[sflag:s4] =	ssyncadd.s32 $0xFFFFFFF8  }
0x1a: {  	[hbm4b:s13+s3] =	stream.linear.scatter [tilespmem:s9], [sflag:$0x3], $0x8, $0x38;
	[tilespmem:$0x180] =	vst v63  }
0x1b: {  	_ =	swait.ge [sflag:s4], $0x8  }
0x1c: {  	s14 =	sadd.s32 $0xFFFFFFFF, s31;
	[sflag:s4] =	ssyncset.done $0x0  }
.LBB2_1:
0x1d: {  	p0 =	sne.s32 s14, $0x1;
	s14 =	sadd.s32 $0xFFFFFFFF, s14;
	[sflag:s4] =	ssyncadd.s32 $0xFFFFFFF8  }
0x1e: {  	[tilespmem:s3], [sflag:$0x3] =	stream.linear.gather [hbm4b:s5+s3], $0x8, $0x38;
	[tilespmem:$0x180] =	vst v63  }
0x1f: {  	_ =	swait.ge [sflag:s4], $0x8  }
0x20: {  	[sflag:s4] =	ssyncset.done $0x0  }
0x21: {  	[sflag:s4] =	ssyncadd.s32 $0xFFFFFFF8  }
0x22: {  	[tilespmem:s7], [sflag:$0x1] =	stream.indirect.gather [hbm4b:s2+s6], $0x1, s3, s6, $0xb8;
	[tilespmem:$0x180] =	vst v63  }
0x23: {  	_ = 	snop  }
0x24: {  	[tilespmem:s9], [sflag:$0x2] =	stream.indirect.gather [hbm4b:s8+s6], $0x1, s3, s6, $0xb8;
	[tilespmem:$0x180] =	vst v63  }
0x25: {  	_ =	swait.ge [sflag:s10], $0x8  }
0x26: {  	[sflag:s10] =	ssyncset.done $0x0  }
0x27: {  	[sflag:s10] =	ssyncadd.s32 $0xFFFFFFF8  }
0x28: {  	_ =	swait.ge [sflag:s11], $0x8  }
0x29: {  	[sflag:s11] =	ssyncset.done $0x0  }
0x2a: {  	[sflag:s11] =	ssyncadd.s32 $0xFFFFFFF8  }
0x2b: {  	[hbm4b:s12+s3] =	stream.linear.scatter [tilespmem:s7], [sflag:$0x3], $0x8, $0x38;
	[tilespmem:$0x180] =	vst v63  }
0x2c: {  	_ =	swait.ge [sflag:s4], $0x8  }
.Ltmp1:
0x2d: {  	[sflag:s4] =	ssyncset.done $0x0;
	(pc) =	sbr.rel @p0 .LBB2_1-.Ltmp1, $4  }
0x2e: {  	[sflag:s4] =	ssyncadd.s32 $0xFFFFFFF8  }
0x2f: {  	[hbm4b:s13+s3] =	stream.linear.scatter [tilespmem:s9], [sflag:$0x3], $0x8, $0x38;
	[tilespmem:$0x180] =	vst v63  }
0x30: {  	_ =	swait.ge [sflag:s4], $0x8  }
0x31: {  	[sflag:s4] =	ssyncset.done $0x0  }
.LBB2_2:
0x32: {  	[sflag:s4] =	ssyncadd.s32 $0xFFFFFFF8  }
0x33: {  	_ =	sfence.sel $0x180000  }
0x34: {  	[bflag:$0x0] =	sbarrier.arrive $0xFFFF  }
0x35: {  	p0 =	sne.s32 s1, $0x0;
	_ =	strace $0x90000047  }
0x36: {  	s0 =	sadd.s32 @!p0 $0x100000, s0;
	[bflag:$0x2] =	sbarrier.arrive $0xFFFF  }
0x37: {  	[sflag:s0] =	ssyncadd.tile.s32 @!p0 $0x1;
	_ =	shalt  }
.Lfunc_end2:
_tile_overlayer_lowered:
.L_overlay_start_2:
0x38: {  	(tag) =	ssettag $0x2  }
0x39: {  	s0 =	rddreg [dreg:$0x0];
	s2 =	stileid.u32  }
0x3a: {  	s1 =	rddreg [dreg:$0x1];
	p0 =	sne.s32 s2, $0x0  }
0x3b: {  	s3 =	rddreg [dreg:$0x2];
	[bflag:$0x3] =	sbarrier.arrive $0xFFFF;
	s2 =	simm.s32 @!p0 $0x1C03  }
0x3c: {  	[timem:s3], [sflag:s2] =	dma.local @!p0 [hbm:s0], s1  }
0x3d: {  	s0 =	simm.s32 @!p0 $0x3  }
0x3e: {  	_ =	swait.ge @!p0 [sflag:s0], s1  }
0x3f: {  	s1 =	ssub.s32 @!p0 $0x0, s1;
	[sflag:s0] =	ssyncset.done @!p0 $0x0  }
0x40: {  	[sflag:s0] =	ssyncadd.s32 @!p0 s1  }
0x41: {  	[bflag:$0x3] =	sbarrier.arrive $0xFFFF  }
0x42: {  	_ =	shalt  }

</sc_bundles>
